<compile_context>
chip_gen: v7x
topology: tpu7x:2x2x1
jax: 0.10.2.dev20260603
libtpu: 0.0.44.dev20260713+nightly
codegen_flags: <defaults>
</compile_context>

<pallas_src>
import jax
import jax.numpy as jnp
from jax.experimental import pallas as pl

HIDDEN_DIM = 1024
NUM_BLOCKS = 32
BLOCK_SIZE = 16
NUM_CLUSTERS = 4
HIDDEN_SIZE = 128
OUT_COLS = NUM_BLOCKS * BLOCK_SIZE * BLOCK_SIZE

TILE = 256


def _fused_kernel(x_ref, w1_ref, b1_ref, w2_ref, b2_ref, c_ref, out_ref):
    x = x_ref[...]
    h = x @ w1_ref[...] + b1_ref[...]
    h = 0.5 * h * (1.0 + jax.lax.erf(h * 0.7071067811865476))
    g = h @ w2_ref[...] + b2_ref[...]
    g = g - jnp.max(g, axis=-1, keepdims=True)
    e = jnp.exp(g)
    gate = e / jnp.sum(e, axis=-1, keepdims=True)
    c = c_ref[...]
    acc = gate[:, 0:1] * c[0:1, :]
    for k in range(1, NUM_CLUSTERS):
        acc = acc + gate[:, k:k + 1] * c[k:k + 1, :]
    out_ref[...] = acc


def kernel(tensor, W1, b1, W2, b2, cluster_logits):
    orig_shape = tensor.shape
    x = tensor.reshape(-1, HIDDEN_DIM)
    n_tok = x.shape[0]
    cflat = cluster_logits.reshape(NUM_CLUSTERS, OUT_COLS)
    b1r = b1.reshape(1, HIDDEN_SIZE)
    b2r = b2.reshape(1, NUM_CLUSTERS)

    grid = (n_tok // TILE,)
    out = pl.pallas_call(
        _fused_kernel,
        grid=grid,
        in_specs=[
            pl.BlockSpec((TILE, HIDDEN_DIM), lambda i: (i, 0)),
            pl.BlockSpec((HIDDEN_DIM, HIDDEN_SIZE), lambda i: (0, 0)),
            pl.BlockSpec((1, HIDDEN_SIZE), lambda i: (0, 0)),
            pl.BlockSpec((HIDDEN_SIZE, NUM_CLUSTERS), lambda i: (0, 0)),
            pl.BlockSpec((1, NUM_CLUSTERS), lambda i: (0, 0)),
            pl.BlockSpec((NUM_CLUSTERS, OUT_COLS), lambda i: (0, 0)),
        ],
        out_specs=pl.BlockSpec((TILE, OUT_COLS), lambda i: (i, 0)),
        out_shape=jax.ShapeDtypeStruct((n_tok, OUT_COLS), jnp.float32),
    )(x, W1, b1r, W2, b2r, cflat)
    return out.reshape(*orig_shape[:-1], NUM_BLOCKS, BLOCK_SIZE, BLOCK_SIZE)

# --- scband reference (transcript-rebuilt; emitter-appended) ---
"""Pipeline reference for scband-xperm-predictor-2035814498916 (READ-ONLY COPY).

The authoritative reference and input builder live on the scoring server;
editing this copy changes nothing except your own understanding.
"""

import jax, jax.numpy as jnp
import numpy as np

HIDDEN_DIM = 1024
NUM_BLOCKS = 32
BLOCK_SIZE = 16
NUM_CLUSTERS = 4
HIDDEN_SIZE = 128


def setup_inputs(seed: int = 0) -> dict:
    key = jax.random.key(seed)
    ks = jax.random.split(key, 4)
    tensor = jax.random.normal(ks[0], (2, 2048, HIDDEN_DIM), dtype=jnp.float32)
    # gate = Linear(hidden_dim, hidden_size) -> GELU -> Linear(hidden_size, num_clusters)
    # weights init: trunc_normal std=0.02, biases zero
    W1 = jax.random.truncated_normal(ks[1], -2.0, 2.0, (HIDDEN_DIM, HIDDEN_SIZE), dtype=jnp.float32) * 0.02
    b1 = jnp.zeros((HIDDEN_SIZE,), dtype=jnp.float32)
    W2 = jax.random.truncated_normal(ks[2], -2.0, 2.0, (HIDDEN_SIZE, NUM_CLUSTERS), dtype=jnp.float32) * 0.02
    b2 = jnp.zeros((NUM_CLUSTERS,), dtype=jnp.float32)
    cluster_logits = jax.random.normal(ks[3], (NUM_CLUSTERS, NUM_BLOCKS, BLOCK_SIZE, BLOCK_SIZE), dtype=jnp.float32) * 0.01
    return {"tensor": tensor, "W1": W1, "b1": b1, "W2": W2, "b2": b2, "cluster_logits": cluster_logits}


def reference(tensor, W1, b1, W2, b2, cluster_logits):
    orig_shape = tensor.shape
    x = tensor.reshape(-1, HIDDEN_DIM)
    h = jax.nn.gelu(x @ W1 + b1, approximate=False)
    gate = jax.nn.softmax(h @ W2 + b2, axis=-1)
    # gate: [B*S, K]; cluster_logits: [K, N, I, J]
    logits = jnp.einsum('bk,knij->bnij', gate, cluster_logits)
    logits = logits.reshape(*orig_shape[:-1], NUM_BLOCKS, BLOCK_SIZE, BLOCK_SIZE)
    return logits

if __name__ == "__main__":
    import jax
    _d = setup_inputs()
    print(jax.jit(kernel)(*tuple(_d.values())))

</pallas_src>

<mosaic_0001>
module attributes {stable_mosaic.version = 14 : i64} {
  func.func @_fused_kernel(%arg0: i32, %arg1: memref<256x1024xf32, #tpu.memory_space<vmem>>, %arg2: memref<1024x128xf32, #tpu.memory_space<vmem>>, %arg3: memref<1x128xf32, #tpu.memory_space<vmem>>, %arg4: memref<128x4xf32, #tpu.memory_space<vmem>>, %arg5: memref<1x4xf32, #tpu.memory_space<vmem>>, %arg6: memref<4x8192xf32, #tpu.memory_space<vmem>>, %arg7: memref<256x8192xf32, #tpu.memory_space<vmem>>) attributes {dimension_semantics = [#tpu.dimension_semantics<arbitrary>], iteration_bounds = array<i64: 16>, scalar_prefetch = 0 : i64, scratch_operands = 0 : i64, tpu.core_type = #tpu.core_type<tc>, window_params = [{transform_indices = @transform_0, window_bounds = array<i64: 256, 1024>}, {pipeline_mode = #tpu.pipeline_mode<synchronous>, transform_indices = @transform_1, window_bounds = array<i64: 1024, 128>}, {pipeline_mode = #tpu.pipeline_mode<synchronous>, transform_indices = @transform_2, window_bounds = array<i64: 1, 128>}, {pipeline_mode = #tpu.pipeline_mode<synchronous>, transform_indices = @transform_3, window_bounds = array<i64: 128, 4>}, {pipeline_mode = #tpu.pipeline_mode<synchronous>, transform_indices = @transform_4, window_bounds = array<i64: 1, 4>}, {pipeline_mode = #tpu.pipeline_mode<synchronous>, transform_indices = @transform_5, window_bounds = array<i64: 4, 8192>}, {transform_indices = @transform_6, window_bounds = array<i64: 256, 8192>}]} {
    %get3A = arith.constant 0 : index
    %get3A_0 = arith.constant 0 : index
    %get3A_1 = vector.load %arg1[%get3A, %get3A_0] : memref<256x1024xf32, #tpu.memory_space<vmem>>, vector<256x1024xf32>
    %get3A_2 = arith.constant 0 : index
    %get3A_3 = arith.constant 0 : index
    %get3A_4 = vector.load %arg2[%get3A_2, %get3A_3] : memref<1024x128xf32, #tpu.memory_space<vmem>>, vector<1024x128xf32>
    %dot_general3A = arith.constant dense<0.000000e+00> : vector<256x128xf32>
    %dot_general3A_5 = tpu.matmul %get3A_1, %get3A_4, %dot_general3A {dimension_numbers = #tpu.dot_dimension_numbers<[1], [0], [0], [1], [0, 0, 1, 1], [], []>, transpose_lhs_hint = false} : vector<256x1024xf32>, vector<1024x128xf32>, vector<256x128xf32> -> vector<256x128xf32>
    %get3A_6 = arith.constant 0 : index
    %get3A_7 = arith.constant 0 : index
    %get3A_8 = vector.load %arg3[%get3A_6, %get3A_7] : memref<1x128xf32, #tpu.memory_space<vmem>>, vector<1x128xf32>
    %add3A = vector.broadcast %get3A_8 : vector<1x128xf32> to vector<256x128xf32>
    %add3A_9 = arith.addf %dot_general3A_5, %add3A : vector<256x128xf32>
    %mul3A = arith.constant 5.000000e-01 : f32
    %mul3A_10 = vector.broadcast %mul3A : f32 to vector<256x128xf32>
    %mul3A_11 = arith.mulf %mul3A_10, %add3A_9 : vector<256x128xf32>
    %mul3A_12 = arith.constant 0.707106769 : f32
    %mul3A_13 = vector.broadcast %mul3A_12 : f32 to vector<256x128xf32>
    %mul3A_14 = arith.mulf %add3A_9, %mul3A_13 : vector<256x128xf32>
    %erf3A = math.erf %mul3A_14 : vector<256x128xf32>
    %add3A_15 = arith.constant 1.000000e+00 : f32
    %add3A_16 = vector.broadcast %add3A_15 : f32 to vector<256x128xf32>
    %add3A_17 = arith.addf %add3A_16, %erf3A : vector<256x128xf32>
    %mul3A_18 = arith.mulf %mul3A_11, %add3A_17 : vector<256x128xf32>
    %get3A_19 = arith.constant 0 : index
    %get3A_20 = arith.constant 0 : index
    %get3A_21 = vector.load %arg4[%get3A_19, %get3A_20] : memref<128x4xf32, #tpu.memory_space<vmem>>, vector<128x4xf32>
    %dot_general3A_22 = arith.constant dense<0.000000e+00> : vector<256x4xf32>
    %dot_general3A_23 = tpu.matmul %mul3A_18, %get3A_21, %dot_general3A_22 {dimension_numbers = #tpu.dot_dimension_numbers<[1], [0], [0], [1], [0, 0, 1, 1], [], []>, transpose_lhs_hint = false} : vector<256x128xf32>, vector<128x4xf32>, vector<256x4xf32> -> vector<256x4xf32>
    %get3A_24 = arith.constant 0 : index
    %get3A_25 = arith.constant 0 : index
    %get3A_26 = vector.load %arg5[%get3A_24, %get3A_25] : memref<1x4xf32, #tpu.memory_space<vmem>>, vector<1x4xf32>
    %add3A_27 = vector.broadcast %get3A_26 : vector<1x4xf32> to vector<256x4xf32>
    %add3A_28 = arith.addf %dot_general3A_23, %add3A_27 : vector<256x4xf32>
    %reduce_max3A = arith.constant dense<0xFF800000> : vector<256xf32>
    %reduce_max3A_29 = vector.multi_reduction <maximumf>, %add3A_28, %reduce_max3A [1] : vector<256x4xf32> to vector<256xf32>
    %broadcast_in_dim3A = vector.shape_cast %reduce_max3A_29 : vector<256xf32> to vector<256x1xf32>
    %sub3A = vector.broadcast %broadcast_in_dim3A : vector<256x1xf32> to vector<256x4xf32>
    %sub3A_30 = arith.subf %add3A_28, %sub3A : vector<256x4xf32>
    %exp3A = math.exp %sub3A_30 : vector<256x4xf32>
    %reduce_sum3A = arith.constant dense<0.000000e+00> : vector<256xf32>
    %reduce_sum3A_31 = vector.multi_reduction <add>, %exp3A, %reduce_sum3A [1] : vector<256x4xf32> to vector<256xf32>
    %broadcast_in_dim3A_32 = vector.shape_cast %reduce_sum3A_31 : vector<256xf32> to vector<256x1xf32>
    %div3A = vector.broadcast %broadcast_in_dim3A_32 : vector<256x1xf32> to vector<256x4xf32>
    %div3A_33 = arith.divf %exp3A, %div3A : vector<256x4xf32>
    %get3A_34 = arith.constant 0 : index
    %get3A_35 = arith.constant 0 : index
    %get3A_36 = vector.load %arg6[%get3A_34, %get3A_35] : memref<4x8192xf32, #tpu.memory_space<vmem>>, vector<4x8192xf32>
    %slice3A = vector.extract_strided_slice %div3A_33 {offsets = [0, 0], sizes = [256, 1], strides = [1, 1]} : vector<256x4xf32> to vector<256x1xf32>
    %slice3A_37 = vector.extract_strided_slice %get3A_36 {offsets = [0, 0], sizes = [1, 8192], strides = [1, 1]} : vector<4x8192xf32> to vector<1x8192xf32>
    %mul3A_38 = vector.broadcast %slice3A : vector<256x1xf32> to vector<256x8192xf32>
    %mul3A_39 = vector.broadcast %slice3A_37 : vector<1x8192xf32> to vector<256x8192xf32>
    %mul3A_40 = arith.mulf %mul3A_38, %mul3A_39 : vector<256x8192xf32>
    %slice3A_41 = vector.extract_strided_slice %div3A_33 {offsets = [0, 1], sizes = [256, 1], strides = [1, 1]} : vector<256x4xf32> to vector<256x1xf32>
    %slice3A_42 = vector.extract_strided_slice %get3A_36 {offsets = [1, 0], sizes = [1, 8192], strides = [1, 1]} : vector<4x8192xf32> to vector<1x8192xf32>
    %mul3A_43 = vector.broadcast %slice3A_41 : vector<256x1xf32> to vector<256x8192xf32>
    %mul3A_44 = vector.broadcast %slice3A_42 : vector<1x8192xf32> to vector<256x8192xf32>
    %mul3A_45 = arith.mulf %mul3A_43, %mul3A_44 : vector<256x8192xf32>
    %add3A_46 = arith.addf %mul3A_40, %mul3A_45 : vector<256x8192xf32>
    %slice3A_47 = vector.extract_strided_slice %div3A_33 {offsets = [0, 2], sizes = [256, 1], strides = [1, 1]} : vector<256x4xf32> to vector<256x1xf32>
    %slice3A_48 = vector.extract_strided_slice %get3A_36 {offsets = [2, 0], sizes = [1, 8192], strides = [1, 1]} : vector<4x8192xf32> to vector<1x8192xf32>
    %mul3A_49 = vector.broadcast %slice3A_47 : vector<256x1xf32> to vector<256x8192xf32>
    %mul3A_50 = vector.broadcast %slice3A_48 : vector<1x8192xf32> to vector<256x8192xf32>
    %mul3A_51 = arith.mulf %mul3A_49, %mul3A_50 : vector<256x8192xf32>
    %add3A_52 = arith.addf %add3A_46, %mul3A_51 : vector<256x8192xf32>
    %slice3A_53 = vector.extract_strided_slice %div3A_33 {offsets = [0, 3], sizes = [256, 1], strides = [1, 1]} : vector<256x4xf32> to vector<256x1xf32>
    %slice3A_54 = vector.extract_strided_slice %get3A_36 {offsets = [3, 0], sizes = [1, 8192], strides = [1, 1]} : vector<4x8192xf32> to vector<1x8192xf32>
    %mul3A_55 = vector.broadcast %slice3A_53 : vector<256x1xf32> to vector<256x8192xf32>
    %mul3A_56 = vector.broadcast %slice3A_54 : vector<1x8192xf32> to vector<256x8192xf32>
    %mul3A_57 = arith.mulf %mul3A_55, %mul3A_56 : vector<256x8192xf32>
    %add3A_58 = arith.addf %add3A_52, %mul3A_57 : vector<256x8192xf32>
    %swap3A = arith.constant 0 : index
    %swap3A_59 = arith.constant 0 : index
    %swap3A_60 = vector.load %arg7[%swap3A, %swap3A_59] : memref<256x8192xf32, #tpu.memory_space<vmem>>, vector<256x8192xf32>
    tpu.vector_store %arg7[%swap3A, %swap3A_59], %add3A_58 {strides = array<i32>} : memref<256x8192xf32, #tpu.memory_space<vmem>>, vector<256x8192xf32>,
    return
  }
  func.func @transform_0(%arg0: i32) -> (i32, i32) {
    %c0_i32 = arith.constant 0 : i32
    %c0_i32_0 = arith.constant 0 : i32
    return %arg0, %c0_i32 : i32, i32
  }
  func.func @transform_1(%arg0: i32) -> (i32, i32) {
    %c0_i32 = arith.constant 0 : i32
    %c0_i32_0 = arith.constant 0 : i32
    %c0_i32_1 = arith.constant 0 : i32
    return %c0_i32, %c0_i32_0 : i32, i32
  }
  func.func @transform_2(%arg0: i32) -> (i32, i32) {
    %c0_i32 = arith.constant 0 : i32
    %c0_i32_0 = arith.constant 0 : i32
    %c0_i32_1 = arith.constant 0 : i32
    return %c0_i32, %c0_i32_0 : i32, i32
  }
  func.func @transform_3(%arg0: i32) -> (i32, i32) {
    %c0_i32 = arith.constant 0 : i32
    %c0_i32_0 = arith.constant 0 : i32
    %c0_i32_1 = arith.constant 0 : i32
    return %c0_i32, %c0_i32_0 : i32, i32
  }
  func.func @transform_4(%arg0: i32) -> (i32, i32) {
    %c0_i32 = arith.constant 0 : i32
    %c0_i32_0 = arith.constant 0 : i32
    %c0_i32_1 = arith.constant 0 : i32
    return %c0_i32, %c0_i32_0 : i32, i32
  }
  func.func @transform_5(%arg0: i32) -> (i32, i32) {
    %c0_i32 = arith.constant 0 : i32
    %c0_i32_0 = arith.constant 0 : i32
    %c0_i32_1 = arith.constant 0 : i32
    return %c0_i32, %c0_i32_0 : i32, i32
  }
  func.func @transform_6(%arg0: i32) -> (i32, i32) {
    %c0_i32 = arith.constant 0 : i32
    %c0_i32_0 = arith.constant 0 : i32
    return %arg0, %c0_i32 : i32, i32
  }
}

</mosaic_0001>

<sc_bundles>
// kernel: sparse-core-data-format-call.cloned.1.call-start
scs
called_computation_lowered:
.L_overlay_start_0:
0x0: {  	s2 =	sld [smem:$0x3FD9]  }
0x1: {  	s3 =	sld [smem:$0x3FFE];
	_ =	sdelay $0x1  }
0x2: {  	s1 =	srdreg.scid  }
0x3: {  	s0 =	sand.u32 $0x1, s1  }
0x4: {  	s18 =	sshll.u32 s0, $0xA;
	s2 =	sadd.s32 s3, s2  }
0x5: {  	s2 =	sadd.s32 s2, s18  }
0x6: {  	[smem:$0x3FC2] =	sst s2  }
0x7: {  	_ = 	snop  }
0x8: {  	s2 =	sld [smem:$0x3FD0];
	(tm) =	ssettm $0x1  }
0x9: {  	s19 =	sld [smem:$0x3FFB];
	_ =	sdelay $0x3  }
0xa: {  	_ =	strace s19  }
0xb: {  	s3 =	sld [smem:$0x3FFC];
	_ =	sdelay $0x3  }
0xc: {  	_ =	strace s3  }
0xd: {  	s3 =	sld [smem:$0x3FFD];
	_ =	sdelay $0x3  }
0xe: {  	_ =	strace s3  }
0xf: {  	_ =	strace $0x8FFFFFFF  }
0x10: {  	s20 =	sld [smem:$0x3FDB];
	_ =	sdelay $0x1  }
0x11: {  	s4 =	simm.s32 $_scs_section_size  }
0x12: {  	s5 =	simm.s32 $_size__tile_overlayer_lowered;
	s6 =	simm.s32 $_tile_overlayer_lowered  }
0x13: {  	s23 =	simm.s32 $0x1BFF;
	s22 =	sshll.u32 s6, $0x1;
	s3 =	sadd.s32 s4, s20  }
0x14: {  	s7 =	simm.s32 $0x0;
	s21 =	sshll.u32 s5, $0x1;
	s5 =	sadd.s32 s22, s3  }
0x15: {  	[timem:s7], [sflag:s23] =	dma.local [hbm:s5], s21  }
0x16: {  	_ =	swait.ge [sflag:s23], s21  }
0x17: {  	s4 =	ssub.s32 $0x0, s21;
	[sflag:s23] =	ssyncset.done $0x0  }
0x18: {  	[sflag:s23] =	ssyncadd.s32 s4;
	_ =	sdelay $0x1  }
0x19: {  	s24 =	simm.s32 $0x1B8B  }
0x1a: {  	_ =	swait.ge [sflag:s24], $0x1  }
0x1b: {  	[sflag:s24] =	ssyncset.done $0x0  }
0x1c: {  	s26 =	simm.s32 $0x1B8E;
	s25 =	sld [smem:$0x3FFE];
	[sflag:s24] =	ssyncadd.s32 $0xFFFFFFFF  }
0x1d: {  	s27 =	simm.s32 $execute0_lowered;
	[smem:$0x3FD2] =	sst s26  }
0x1e: {  	s5 =	sshll.u32 s27, $0x1;
	_ =	strace $0x80000046;
	[dreg:$0x1] =	wrdreg $0xFFFFFFFF  }
0x1f: {  	s28 =	simm.s32 $_size_execute0_lowered;
	s3 =	sadd.s32 s3, s5;
	[dreg:$0x0] =	wrdreg $0x0  }
0x20: {  	s5 =	sshll.u32 s28, $0x1;
	[dreg:$0x2] =	wrdreg s3  }
0x21: {  	[dreg:$0x3] =	wrdreg s5  }
0x22: {  	[dreg:$0x4] =	wrdreg $0xC0  }
0x23: {  	_ =	task [dreg:s7], $0x5FFFF  }
0x24: {  	[dreg:$0x1] =	wrdreg $0xFFFFFFFF  }
0x25: {  	[dreg:$0x0] =	wrdreg $0x60  }
0x26: {  	[dreg:$0x2] =	wrdreg s25  }
0x27: {  	[dreg:$0x3] =	wrdreg s2  }
0x28: {  	[dreg:$0x4] =	wrdreg $0x9  }
0x29: {  	_ =	task.clear_ibuf [dreg:s7], $0x5FFFF;
	_ =	strace $0x90000046  }
0x2a: {  	s29 =	simm.s32 $0x9;
	_ =	strace $0x80000048  }
0x2b: {  	_ =	swait.ge [sflag:s29], $0x1  }
0x2c: {  	[sflag:s29] =	ssyncadd.s32 $0xFFFFFFFF  }
0x2d: {  	_ =	strace $0x90000048  }
0x2e: {  	_ =	sfence  }
0x2f: {  	s30 =	sld [smem:$0x0];
	_ =	sdelay $0x2  }
0x30: {  	s31 =	sshll.u32 s1, $0xD;
	s1 =	sshrl.u32 s1, $0x2  }
0x31: {  	s3 =	sand.u32 $0x4000, s31;
	s1 =	sadd.s32 s1, s30  }
0x32: {  	s0 =	sor.u32 s3, s0;
	s1 =	sshll.u32 s1, $0x11  }
0x33: {  	s0 =	sor.u32 s1, s0  }
0x34: {  	s0 =	sadd.s32 $0x8F2B, s0  }
0x35: {  	[sflag:s0] =	ssyncadd.remote.s32 $0x1  }
0x36: {  	_ =	sfence.sel $0xFFFF  }
0x37: {  	[dreg:$0x0] =	wrdreg $0xFFFFFFFF;
	(pc) =	sbr.abs _section_cstart, $3  }
0x38: {  	[dreg:$0x1] =	wrdreg $0xFFFFFFFF  }
0x39: {  	_ =	task.clear_ibuf [dreg:s7], $0x2FFFF;
	_ =	strace $0x9FFFFFFF  }
0x3a: {  	(tm) =	ssettm $0x7FFFFFFF  }
0x3b: {  	_ =	shalt  }
tec
execute0_lowered:
.L_overlay_start_1:
0x0: {  	(tag) =	ssettag $0x1  }
0x1: {  	s1 =	rddreg [dreg:$0x0]  }
0x2: {  	s2 =	rddreg [dreg:$0x1]  }
0x3: {  	s0 =	rddreg [dreg:$0x2]  }
0x4: {  	s4 =	srdreg.scid;
	_ =	strace $0x80000047;
	s6 =	simm.s32 $0x2  }
0x5: {  	s13 =	simm.s32 $0x0;
	s14 =	simm.s32 $0x0;
	s17 =	simm.s32 $0x0  }
0x6: {  	s15 =	simm.s32 $0x0;
	s16 =	simm.s32 $0x0;
	s8 =	simm.s32 $0x0  }
.Ltmp0:
0x7: {  	s9 =	simm.s32 $0x0;
	s10 =	simm.s32 $0x0;
	(pc) =	sbr.rel .LBB1_1-.Ltmp0, $4  }
0x8: {  	s11 =	simm.s32 $0x0;
	s3 =	sadd.s32 $0x400C00, s1;
	s4 =	sshll.u32 s4, $0x4  }
0x9: {  	s1 =	stileid.u32;
	s5 =	sand.u32 $0x10, s4;
	s4 =	simm.s32 $0x1  }
0xa: {  	s7 =	simm.s32 $0x0;
	s5 =	sor.u32 s1, s5;
	[sflag:s4] =	ssyncpa.u1 $0x0  }
0xb: {  	[sflag:s6] =	ssyncpa.u1 $0x0;
	s6 =	simm.s32 $0x1000000;
	s12 =	smov.u32 s5  }
.LBB1_9:
0xc: {  	s18 =	sadd.s32 $0x400, s8  }
0xd: {  	s13 =	sadd.s32 $0x2, s9;
	s19 =	smov.u32 s9;
	p1 =	sgt.s32 s18, $0x7FF  }
0xe: {  	s19 =	smov.u32 @p1 s13  }
0xf: {  	s20 =	smov.u32 s10;
	s13 =	sadd.s32 $0x8, s10;
	p2 =	sgt.s32 s19, $0x1  }
0x10: {  	s20 =	smov.u32 @p2 s13  }
0x11: {  	s13 =	simm.s32 $0x1;
	p3 =	sgt.s32 s20, $0xF  }
0x12: {  	s13 =	simm.s32 @!p3 $0x0  }
0x13: {  	p0 =	slt.u32 s7, $0x2;
	s21 =	sadd.s32 s13, s11  }
0x14: {  	s22 =	smov.u32 s12;
	s13 =	sadd.s32 $0x20, s12;
	p4 =	sgt.s32 s21, $0xF  }
0x15: {  	s7 =	sadd.s32 $0x1, s7;
	s14 =	smov.u32 s9;
	s22 =	smov.u32 @p4 s13  }
0x16: {  	s17 =	smov.u32 s10;
	s18 =	simm.s32 @p1 $0x0;
	p1 =	sgt.s32 s22, $0x1F  }
0x17: {  	s23 =	simm.s32 @!p0 $0x2;
	s22 =	smov.u32 @p1 s5;
	p1 =	sne.s32 s7, $0x42  }
.Ltmp1:
0x18: {  	s15 =	smov.u32 s11;
	_ =	swait.ge @!p0 [sflag:s23], $0x4000;
	(pc) =	sbr.rel @!p1 .LBB1_10-.Ltmp1, $4  }
0x19: {  	s16 =	smov.u32 s12;
	[sflag:s23] =	ssyncset.done @!p0 $0x0;
	s19 =	simm.s32 @p2 $0x0  }
0x1a: {  	[sflag:s23] =	ssyncadd.s32 @!p0 $0xFFFFC000;
	s9 =	smov.u32 s19;
	s20 =	simm.s32 @p3 $0x0  }
0x1b: {  	s10 =	smov.u32 s20;
	s21 =	simm.s32 @p4 $0x0;
	s13 =	smov.u32 s8  }
0x1c: {  	s8 =	smov.u32 s18;
	s11 =	smov.u32 s21;
	s12 =	smov.u32 s22  }
.LBB1_1:
0x1d: {  	p0 =	sgt.u32 s7, $0x3F  }
0x1e: {  	s18 =	sxor.u32 @!p0 $0xFFFFFFFF, s7  }
0x1f: {  	s19 =	sshll.u32 @!p0 s9, $0x7;
	s20 =	sand.u32 @!p0 $0x78, s8;
	s21 =	sshll.u32 @!p0 s8, $0x1  }
0x20: {  	s22 =	sshll.u32 @!p0 s10, $0x9;
	s18 =	sshll.u32 @!p0 s18, $0xE;
	s19 =	sand.u32 @!p0 $0x80, s19  }
0x21: {  	s21 =	sand.u32 @!p0 $0x700, s21;
	s19 =	sor.u32 @!p0 s19, s20;
	s20 =	sshll.u32 @!p0 s12, $0x11  }
0x22: {  	s19 =	sor.u32 @!p0 s21, s19;
	s21 =	sshll.u32 @!p0 s11, $0xD;
	s20 =	sadd.s32 @!p0 s3, s20  }
0x23: {  	s23 =	sshrl.u32 @!p0 s8, $0x2;
	s18 =	sand.u32 @!p0 $0x4000, s18;
	s20 =	sadd.s32 @!p0 s21, s20  }
0x24: {  	s21 =	sand.u32 @!p0 $0x100, s23;
	s20 =	sadd.s32 @!p0 s22, s20;
	s22 =	sand.u32 @!p0 $0x7, s8  }
0x25: {  	s19 =	sshrl.u32 @!p0 s19, $0x3;
	s20 =	sadd.s32 @!p0 s21, s20;
	s21 =	sshll.u32 @!p0 s22, $0x12  }
0x26: {  	s19 =	sadd.s32 @!p0 s19, s20;
	s20 =	sor.u32 @!p0 $0x800, s21;
	s21 =	simm.s32 @!p0 $0x1000  }
0x27: {  	[tilespmem:s18], [sflag:$0x1] =	stream.strided.gather @!p0 [hbm4b:s19+s20], $0x4000, s21, s20, $0x38;
	[tilespmem:$0x10000] =	vst v63  }
0x28: {  	p0 =	seq.s32 s7, $0x0  }
0x29: {  	p1 =	seq.s32 @!p0 s7, $0x41  }
0x2a: {  	p0 =	por p0, p1  }
.Ltmp2:
0x2b: {  	_ = 	snop;
	(pc) =	sbr.rel @p0 .LBB1_9-.Ltmp2, $1  }
0x2c: {  	_ =	sdelay $0x3  }
0x2d: {  	_ =	swait.ge [sflag:s4], $0x4000;
	s18 =	sshll.u32 s7, $0xE  }
0x2e: {  	[sflag:s4] =	ssyncset.done $0x0;
	s19 =	sand.u32 $0x4000, s18  }
0x2f: {  	s20 =	simm.s32 $0x0;
	[sflag:s4] =	ssyncadd.s32 $0xFFFFC000;
	s18 =	sor.u32 $0x8000, s19  }
.LBB1_3:
0x30: {  	s23 =	sshll.u32 s20, $0xB  }
0x31: {  	s24 =	sshll.u32 s20, $0x7;
	p1 =	por $0x1, $0x1;
	v1 =	vmov s23  }
0x32: {  	s21 =	sadd.s32 s23, s19;
	s22 =	sadd.s32 s24, s18;
	v0 =	vmov s24;
	s23 =	simm.s32 $0x0  }
.LBB1_4:
0x33: {  	s24 =	sshll.u32 s23, $0x7  }
0x34: {  	s27 =	sadd.s32 s24, s21  }
0x35: {  	v2 =	vmov s27  }
0x36: {  	s26 =	sshll.u32 s23, $0xD;
	p0 =	por p1, p1;
	s25 =	simm.s32 $0x0  }
0x37: {  	p1 =	por $0x1, $0x1;
	s23 =	sadd.s32 s26, s18;
	s24 =	sadd.s32 s24, s19;
	v3 =	vmov s26  }
.LBB1_5:
0x38: {  	s25 =	sshll.u32 s25, $0x3  }
0x39: {  	s26 =	sshra.s32 s25, $0x2  }
0x3a: {  	v4 =	vld.idx.msk [tilespmem:v2+s26+$0x0 ss:$0x1], $0xffff;
	s26 =	sadd.s32 s26, s24  }
0x3b: {  	v5 =	vld.idx.msk [tilespmem:v1+s26+$0x10 ss:$0x1], $0xffff  }
0x3c: {  	v6 =	vld.idx.msk [tilespmem:v1+s26+$0x20 ss:$0x1], $0xffff  }
0x3d: {  	s25 =	sand.u32 $0x3FFFFFF8, s25;
	v7 =	vld.idx.msk [tilespmem:v1+s26+$0x30 ss:$0x1], $0xffff  }
0x3e: {  	s27 =	sadd.s32 s25, s23;
	v8 =	vld.idx.msk [tilespmem:v1+s26+$0x40 ss:$0x1], $0xffff  }
0x3f: {  	s25 =	sadd.s32 s25, s22;
	[tilespmem:v0+s27+$0x0 ss:$0x1] =	vst.idx.msk $0xffff, v4;
	v4 =	vld.idx.msk [tilespmem:v1+s26+$0x50 ss:$0x1], $0xffff  }
0x40: {  	[tilespmem:v3+s25+$0x10 ss:$0x1] =	vst.idx.msk $0xffff, v5;
	v5 =	vld.idx.msk [tilespmem:v1+s26+$0x60 ss:$0x1], $0xffff  }
0x41: {  	v49 =	vld.idx.msk [tilespmem:v1+s26+$0x70 ss:$0x1], $0xffff;
	[tilespmem:v3+s25+$0x20 ss:$0x1] =	vst.idx.msk $0xffff, v6  }
0x42: {  	v50 =	vld.idx.msk [tilespmem:v1+s26+$0x100 ss:$0x1], $0xffff;
	[tilespmem:v3+s25+$0x30 ss:$0x1] =	vst.idx.msk $0xffff, v7  }
0x43: {  	v51 =	vld.idx.msk [tilespmem:v1+s26+$0x110 ss:$0x1], $0xffff;
	[tilespmem:v3+s25+$0x40 ss:$0x1] =	vst.idx.msk $0xffff, v8  }
0x44: {  	[tilespmem:v3+s25+$0x50 ss:$0x1] =	vst.idx.msk $0xffff, v4;
	v4 =	vld.idx.msk [tilespmem:v1+s26+$0x120 ss:$0x1], $0xffff  }
0x45: {  	[tilespmem:v3+s25+$0x60 ss:$0x1] =	vst.idx.msk $0xffff, v5;
	v5 =	vld.idx.msk [tilespmem:v1+s26+$0x130 ss:$0x1], $0xffff  }
0x46: {  	v52 =	vld.idx.msk [tilespmem:v1+s26+$0x140 ss:$0x1], $0xffff;
	[tilespmem:v3+s25+$0x70 ss:$0x1] =	vst.idx.msk $0xffff, v49  }
0x47: {  	v53 =	vld.idx.msk [tilespmem:v1+s26+$0x150 ss:$0x1], $0xffff;
	[tilespmem:v0+s27+$0x400 ss:$0x1] =	vst.idx.msk $0xffff, v50  }
0x48: {  	v54 =	vld.idx.msk [tilespmem:v1+s26+$0x160 ss:$0x1], $0xffff;
	[tilespmem:v3+s25+$0x410 ss:$0x1] =	vst.idx.msk $0xffff, v51  }
0x49: {  	[tilespmem:v3+s25+$0x420 ss:$0x1] =	vst.idx.msk $0xffff, v4;
	v4 =	vld.idx.msk [tilespmem:v1+s26+$0x170 ss:$0x1], $0xffff  }
0x4a: {  	[tilespmem:v3+s25+$0x430 ss:$0x1] =	vst.idx.msk $0xffff, v5;
	v5 =	vld.idx.msk [tilespmem:v1+s26+$0x200 ss:$0x1], $0xffff  }
0x4b: {  	v55 =	vld.idx.msk [tilespmem:v1+s26+$0x210 ss:$0x1], $0xffff;
	[tilespmem:v3+s25+$0x440 ss:$0x1] =	vst.idx.msk $0xffff, v52  }
0x4c: {  	v56 =	vld.idx.msk [tilespmem:v1+s26+$0x220 ss:$0x1], $0xffff;
	[tilespmem:v3+s25+$0x450 ss:$0x1] =	vst.idx.msk $0xffff, v53  }
0x4d: {  	v57 =	vld.idx.msk [tilespmem:v1+s26+$0x230 ss:$0x1], $0xffff;
	[tilespmem:v3+s25+$0x460 ss:$0x1] =	vst.idx.msk $0xffff, v54  }
0x4e: {  	[tilespmem:v3+s25+$0x470 ss:$0x1] =	vst.idx.msk $0xffff, v4;
	v4 =	vld.idx.msk [tilespmem:v1+s26+$0x240 ss:$0x1], $0xffff  }
0x4f: {  	[tilespmem:v0+s27+$0x800 ss:$0x1] =	vst.idx.msk $0xffff, v5;
	v5 =	vld.idx.msk [tilespmem:v1+s26+$0x250 ss:$0x1], $0xffff  }
0x50: {  	v58 =	vld.idx.msk [tilespmem:v1+s26+$0x260 ss:$0x1], $0xffff;
	[tilespmem:v3+s25+$0x810 ss:$0x1] =	vst.idx.msk $0xffff, v55  }
0x51: {  	v59 =	vld.idx.msk [tilespmem:v1+s26+$0x270 ss:$0x1], $0xffff;
	[tilespmem:v3+s25+$0x820 ss:$0x1] =	vst.idx.msk $0xffff, v56  }
0x52: {  	v60 =	vld.idx.msk [tilespmem:v1+s26+$0x300 ss:$0x1], $0xffff;
	[tilespmem:v3+s25+$0x830 ss:$0x1] =	vst.idx.msk $0xffff, v57  }
0x53: {  	[tilespmem:v3+s25+$0x840 ss:$0x1] =	vst.idx.msk $0xffff, v4;
	v4 =	vld.idx.msk [tilespmem:v1+s26+$0x310 ss:$0x1], $0xffff  }
0x54: {  	[tilespmem:v3+s25+$0x850 ss:$0x1] =	vst.idx.msk $0xffff, v5;
	v5 =	vld.idx.msk [tilespmem:v1+s26+$0x320 ss:$0x1], $0xffff  }
0x55: {  	v61 =	vld.idx.msk [tilespmem:v1+s26+$0x330 ss:$0x1], $0xffff;
	[tilespmem:v3+s25+$0x860 ss:$0x1] =	vst.idx.msk $0xffff, v58  }
0x56: {  	v62 =	vld.idx.msk [tilespmem:v1+s26+$0x340 ss:$0x1], $0xffff;
	[tilespmem:v3+s25+$0x870 ss:$0x1] =	vst.idx.msk $0xffff, v59  }
0x57: {  	v63 =	vld.idx.msk [tilespmem:v1+s26+$0x350 ss:$0x1], $0xffff;
	[tilespmem:v0+s27+$0xC00 ss:$0x1] =	vst.idx.msk $0xffff, v60  }
0x58: {  	[tilespmem:v3+s25+$0xC10 ss:$0x1] =	vst.idx.msk $0xffff, v4;
	v4 =	vld.idx.msk [tilespmem:v1+s26+$0x360 ss:$0x1], $0xffff  }
0x59: {  	p2 =	por p1, p1;
	[tilespmem:v3+s25+$0xC20 ss:$0x1] =	vst.idx.msk $0xffff, v5;
	v5 =	vld.idx.msk [tilespmem:v1+s26+$0x370 ss:$0x1], $0xffff  }
.Ltmp3:
0x5a: {  	[tilespmem:v3+s25+$0xC30 ss:$0x1] =	vst.idx.msk $0xffff, v61;
	(pc) =	sbr.rel @p2 .LBB1_5-.Ltmp3, $4  }
0x5b: {  	[tilespmem:v3+s25+$0xC40 ss:$0x1] =	vst.idx.msk $0xffff, v62  }
0x5c: {  	[tilespmem:v3+s25+$0xC50 ss:$0x1] =	vst.idx.msk $0xffff, v63  }
0x5d: {  	[tilespmem:v3+s25+$0xC60 ss:$0x1] =	vst.idx.msk $0xffff, v4  }
0x5e: {  	p1 =	por $0x0, $0x0;
	[tilespmem:v3+s25+$0xC70 ss:$0x1] =	vst.idx.msk $0xffff, v5;
	s25 =	simm.s32 $0x200  }
.Ltmp4:
0x5f: {  	(pc) =	sbr.rel @p0 .LBB1_4-.Ltmp4, $2  }
0x60: {  	_ =	sdelay $0x2  }
0x61: {  	s23 =	simm.s32 $0x1;
	p1 =	por $0x0, $0x0  }
0x62: {  	s20 =	sadd.s32 $0x1, s20  }
0x63: {  	p0 =	sne.s32 s20, $0x8  }
.Ltmp5:
0x64: {  	_ = 	snop;
	(pc) =	sbr.rel @p0 .LBB1_3-.Ltmp5, $1  }
0x65: {  	_ =	sdelay $0x3  }
0x66: {  	s19 =	sshll.u32 s17, $0xB;
	s20 =	sshll.u32 s13, $0x3  }
0x67: {  	s28 =	sshll.u32 s17, $0x7;
	s21 =	sand.u32 $0x78, s13;
	s16 =	sshll.u32 s16, $0x10  }
0x68: {  	s15 =	sshll.u32 s15, $0xC;
	s14 =	sshll.u32 s14, $0x15;
	s30 =	sand.u32 $0x7, s13  }
0x69: {  	s19 =	sand.u32 $0x4000, s19;
	s17 =	sand.u32 $0x380, s28;
	s16 =	sadd.s32 s2, s16  }
0x6a: {  	s19 =	sadd.s32 s19, s20;
	s20 =	sand.u32 $0x400, s20;
	s17 =	sor.u32 s17, s21  }
.Ltmp6:
0x6b: {  	s15 =	sadd.s32 s15, s16;
	s19 =	sshrl.u32 s19, $0x3;
	(pc) =	sbr.rel .LBB1_9-.Ltmp6, $4  }
0x6c: {  	s17 =	sor.u32 s20, s17;
	s14 =	sadd.s32 s14, s15;
	s29 =	sand.u32 $0xF00, s19  }
0x6d: {  	s13 =	sshll.u32 s30, $0x12;
	s31 =	sshrl.u32 s17, $0x3;
	s14 =	sadd.s32 s29, s14  }
0x6e: {  	s13 =	sor.u32 $0x2000, s13;
	s14 =	sadd.s32 s31, s14  }
0x6f: {  	[hbm4b:s14+s13] =	stream.strided.scatter [tilespmem:s18], [sflag:$0x2], $0x4000, s6, s13, $0x38;
	[tilespmem:$0x10000] =	vst v63  }
.LBB1_10:
0x70: {  	_ =	sfence.sel $0x180000  }
0x71: {  	s2 =	simm.s32 $0x1;
	[bflag:$0x0] =	sbarrier.arrive $0xFFFF  }
0x72: {  	s31 =	simm.s32 $0x2;
	[sflag:s2] =	ssyncpa.u1 $0x1  }
0x73: {  	[sflag:s31] =	ssyncpa.u1 $0x1  }
0x74: {  	p0 =	sne.s32 s1, $0x0;
	_ =	strace $0x90000047  }
0x75: {  	s0 =	sadd.s32 @!p0 $0x100000, s0;
	[bflag:$0x2] =	sbarrier.arrive $0xFFFF  }
0x76: {  	[sflag:s0] =	ssyncadd.tile.s32 @!p0 $0x1;
	_ =	shalt  }
.Lfunc_end1:
_tile_overlayer_lowered:
.L_overlay_start_2:
0x77: {  	(tag) =	ssettag $0x2  }
0x78: {  	s0 =	rddreg [dreg:$0x0];
	s2 =	stileid.u32  }
0x79: {  	s1 =	rddreg [dreg:$0x1];
	p0 =	sne.s32 s2, $0x0  }
0x7a: {  	s3 =	rddreg [dreg:$0x2];
	[bflag:$0x3] =	sbarrier.arrive $0xFFFF;
	s2 =	simm.s32 @!p0 $0x1C01  }
0x7b: {  	[timem:s3], [sflag:s2] =	dma.local @!p0 [hbm:s0], s1  }
0x7c: {  	s0 =	simm.s32 @!p0 $0x1  }
0x7d: {  	_ =	swait.ge @!p0 [sflag:s0], s1  }
0x7e: {  	s1 =	ssub.s32 @!p0 $0x0, s1;
	[sflag:s0] =	ssyncset.done @!p0 $0x0  }
0x7f: {  	[sflag:s0] =	ssyncadd.s32 @!p0 s1  }
0x80: {  	[bflag:$0x3] =	sbarrier.arrive $0xFFFF  }
0x81: {  	_ =	shalt  }

</sc_bundles>
